<compile_context>
chip_gen: v7x
topology: tpu7x:2x2x1
jax: 0.10.2.dev20260603
libtpu: 0.0.44.dev20260713+nightly
codegen_flags: <defaults>
</compile_context>

<pallas_src>
import functools

import jax
import jax.numpy as jnp
from jax import lax
from jax.experimental import pallas as pl
from jax.experimental.pallas import tpu as pltpu
from jax.experimental.pallas import tpu_sc as plsc

MAX_SEQ_LEN = 2048
D_MODEL = 1024
BATCH = 4

_NC = 2
_NS = 16
_NW = _NC * _NS
_ROWS = MAX_SEQ_LEN // _NW


@functools.partial(
    pl.kernel,
    mesh=plsc.VectorSubcoreMesh(core_axis_name="c", subcore_axis_name="s"),
    out_type=jax.ShapeDtypeStruct((BATCH, MAX_SEQ_LEN, D_MODEL), jnp.float32),
    scratch_types=[
        pltpu.VMEM((_ROWS, D_MODEL), jnp.float32),
        pltpu.SemaphoreType.DMA,
        pltpu.SemaphoreType.DMA,
        pltpu.SemaphoreType.DMA,
    ],
)
def _broadcast_table(table_hbm, out_hbm, rows_v, rsem0, rsem1, wsem):
    wid = lax.axis_index("c") * _NS + lax.axis_index("s")
    base = wid * _ROWS
    half = _ROWS // 2
    r0 = pltpu.async_copy(
        table_hbm.at[pl.ds(base, half)], rows_v.at[pl.ds(0, half)], rsem0
    )
    r1 = pltpu.async_copy(
        table_hbm.at[pl.ds(base + half, half)],
        rows_v.at[pl.ds(half, half)],
        rsem1,
    )
    writes = []
    r0.wait()
    writes += [
        pltpu.async_copy(
            rows_v.at[pl.ds(0, half)],
            out_hbm.at[b].at[pl.ds(base, half)],
            wsem,
        )
        for b in range(BATCH)
    ]
    r1.wait()
    writes += [
        pltpu.async_copy(
            rows_v.at[pl.ds(half, half)],
            out_hbm.at[b].at[pl.ds(base + half, half)],
            wsem,
        )
        for b in range(BATCH)
    ]
    for w in writes:
        w.wait()


def kernel(x, emb_table):
    del x
    return _broadcast_table(emb_table)

# --- scband reference (transcript-rebuilt; emitter-appended) ---
"""Pipeline reference for scband-positional-embedding-74242804679386 (READ-ONLY COPY).

The authoritative reference and input builder live on the scoring server;
editing this copy changes nothing except your own understanding.
"""

import jax, jax.numpy as jnp
import numpy as np

MAX_SEQ_LEN = 2048
D_MODEL = 1024
BATCH = 4
SEQ_LEN = 2048

def setup_inputs(seed: int = 0) -> dict:
    key = jax.random.key(seed)
    k_x, k_emb = jax.random.split(key)
    x = jax.random.normal(k_x, (BATCH, SEQ_LEN, D_MODEL), dtype=jnp.float32)
    # learned positional embedding table, sized per init_kwargs
    emb_table = jax.random.normal(k_emb, (MAX_SEQ_LEN, D_MODEL), dtype=jnp.float32)
    return {"x": x, "emb_table": emb_table}

def reference(x, emb_table):
    batch_size, seq_len = x.shape[0], x.shape[1]
    # positions: [batch, seq_len]
    positions = jnp.arange(seq_len, dtype=jnp.int32)[None, :]
    positions = jnp.broadcast_to(positions, (batch_size, seq_len))
    # embedding lookup (gather)
    pos_emb = jnp.take(emb_table, positions, axis=0)
    return pos_emb

if __name__ == "__main__":
    import jax
    _d = setup_inputs()
    print(jax.jit(kernel)(*tuple(_d.values())))

</pallas_src>

<mosaic_0001>
#map = affine_map<(d0, d1) -> (0, 0)>
#map1 = affine_map<(d0, d1) -> (0, 0, 0)>
module attributes {stable_mosaic.version = 14 : i64} {
  func.func @_broadcast_table(%arg0: i32, %arg1: i32, %arg2: memref<2048x1024xf32, #tpu.memory_space<hbm>>, %arg3: memref<4x2048x1024xf32, #tpu.memory_space<hbm>>, %arg4: memref<64x1024xf32, #tpu.memory_space<vmem>>, %arg5: memref<!tpu.dma_semaphore, #tpu.memory_space<semaphore_mem>>, %arg6: memref<!tpu.dma_semaphore, #tpu.memory_space<semaphore_mem>>, %arg7: memref<!tpu.dma_semaphore, #tpu.memory_space<semaphore_mem>>) attributes {dimension_semantics = [#tpu.dimension_semantics<core_parallel>, #tpu.dimension_semantics<subcore_parallel>], iteration_bounds = array<i64: 2, 16>, scalar_prefetch = 0 : i64, scratch_operands = 4 : i64, tpu.core_type = #tpu.core_type<sc_vector_subcore>, window_params = [{transform_indices = #map}, {transform_indices = #map1}]} {
    %mul3A = arith.constant 16 : i32
    %mul3A_0 = arith.muli %arg0, %mul3A : i32
    %add3A = arith.addi %mul3A_0, %arg1 : i32
    %mul3A_1 = arith.constant 64 : i32
    %mul3A_2 = arith.muli %add3A, %mul3A_1 : i32
    %dma_start3A = arith.constant 0 : i32
    %dma_start3A_3 = arith.constant 0 : i32
    %dma_start3A_4 = tpu.memref_slice %arg4[%dma_start3A, %dma_start3A_3] : memref<64x1024xf32, #tpu.memory_space<vmem>> -> memref<32x1024xf32, #tpu.memory_space<vmem>>
    %dma_start3A_5 = arith.constant 0 : i32
    %dma_start3A_6 = tpu.memref_slice %arg2[%mul3A_2, %dma_start3A_5] : memref<2048x1024xf32, #tpu.memory_space<hbm>> -> memref<32x1024xf32, #tpu.memory_space<hbm>>
    %dma_start3A_7 = arith.constant 0 : i32
    %dma_start3A_8 = arith.constant 0 : i32
    %dma_start3A_9 = tpu.memref_slice %arg4[%dma_start3A_7, %dma_start3A_8] : memref<64x1024xf32, #tpu.memory_space<vmem>> -> memref<32x1024xf32, #tpu.memory_space<vmem>>
    %dma_start3A_10 = arith.constant 0 : i32
    %dma_start3A_11 = tpu.memref_slice %arg2[%mul3A_2, %dma_start3A_10] : memref<2048x1024xf32, #tpu.memory_space<hbm>> -> memref<32x1024xf32, #tpu.memory_space<hbm>>
    tpu.enqueue_dma source(%dma_start3A_11 : memref<32x1024xf32, #tpu.memory_space<hbm>>) target(%dma_start3A_9 : memref<32x1024xf32, #tpu.memory_space<vmem>>) target_semaphore(%arg5 : memref<!tpu.dma_semaphore, #tpu.memory_space<semaphore_mem>>)
    %add3A_12 = arith.constant 32 : i32
    %add3A_13 = arith.addi %mul3A_2, %add3A_12 : i32
    %dma_start3A_14 = arith.constant 32 : i32
    %dma_start3A_15 = arith.constant 0 : i32
    %dma_start3A_16 = tpu.memref_slice %arg4[%dma_start3A_14, %dma_start3A_15] : memref<64x1024xf32, #tpu.memory_space<vmem>> -> memref<32x1024xf32, #tpu.memory_space<vmem>>
    %dma_start3A_17 = arith.constant 0 : i32
    %dma_start3A_18 = tpu.memref_slice %arg2[%add3A_13, %dma_start3A_17] : memref<2048x1024xf32, #tpu.memory_space<hbm>> -> memref<32x1024xf32, #tpu.memory_space<hbm>>
    %dma_start3A_19 = arith.constant 32 : i32
    %dma_start3A_20 = arith.constant 0 : i32
    %dma_start3A_21 = tpu.memref_slice %arg4[%dma_start3A_19, %dma_start3A_20] : memref<64x1024xf32, #tpu.memory_space<vmem>> -> memref<32x1024xf32, #tpu.memory_space<vmem>>
    %dma_start3A_22 = arith.constant 0 : i32
    %dma_start3A_23 = tpu.memref_slice %arg2[%add3A_13, %dma_start3A_22] : memref<2048x1024xf32, #tpu.memory_space<hbm>> -> memref<32x1024xf32, #tpu.memory_space<hbm>>
    tpu.enqueue_dma source(%dma_start3A_23 : memref<32x1024xf32, #tpu.memory_space<hbm>>) target(%dma_start3A_21 : memref<32x1024xf32, #tpu.memory_space<vmem>>) target_semaphore(%arg6 : memref<!tpu.dma_semaphore, #tpu.memory_space<semaphore_mem>>)
    %dma_wait3A = arith.constant 0 : i32
    %dma_wait3A_24 = arith.constant 0 : i32
    %dma_wait3A_25 = tpu.memref_slice %arg4[%dma_wait3A, %dma_wait3A_24] : memref<64x1024xf32, #tpu.memory_space<vmem>> -> memref<32x1024xf32, #tpu.memory_space<vmem>>
    %dma_wait3A_26 = arith.constant 0 : i32
    %dma_wait3A_27 = tpu.memref_slice %arg2[%mul3A_2, %dma_wait3A_26] : memref<2048x1024xf32, #tpu.memory_space<hbm>> -> memref<32x1024xf32, #tpu.memory_space<hbm>>
    %dma_wait3A_28 = arith.constant 0 : i32
    %dma_wait3A_29 = arith.constant 0 : i32
    %dma_wait3A_30 = tpu.memref_slice %arg4[%dma_wait3A_28, %dma_wait3A_29] : memref<64x1024xf32, #tpu.memory_space<vmem>> -> memref<32x1024xf32, #tpu.memory_space<vmem>>
    %dma_wait3A_31 = arith.constant 0 : i32
    %dma_wait3A_32 = tpu.memref_slice %arg2[%mul3A_2, %dma_wait3A_31] : memref<2048x1024xf32, #tpu.memory_space<hbm>> -> memref<32x1024xf32, #tpu.memory_space<hbm>>
    tpu.wait_dma2 semaphore(%arg5 : memref<!tpu.dma_semaphore, #tpu.memory_space<semaphore_mem>>) src(%dma_wait3A_32 : memref<32x1024xf32, #tpu.memory_space<hbm>>) dst(%dma_wait3A_30 : memref<32x1024xf32, #tpu.memory_space<vmem>>)
    %dma_start3A_33 = arith.constant 0 : i32
    %dma_start3A_34 = arith.constant 0 : i32
    %dma_start3A_35 = arith.constant 0 : i32
    %dma_start3A_36 = tpu.memref_slice %arg4[%dma_start3A_34, %dma_start3A_35] : memref<64x1024xf32, #tpu.memory_space<vmem>> -> memref<32x1024xf32, #tpu.memory_space<vmem>>
    %dma_start3A_37 = arith.constant 0 : i32
    %dma_start3A_38 = arith.constant 0 : i32
    %dma_start3A_39 = tpu.memref_slice %arg3[%dma_start3A_33, %dma_start3A_37, %dma_start3A_38] : memref<4x2048x1024xf32, #tpu.memory_space<hbm>> -> memref<1x2048x1024xf32, #tpu.memory_space<hbm>>
    %dma_start3A_40 = tpu.memref_squeeze %dma_start3A_39 : memref<1x2048x1024xf32, #tpu.memory_space<hbm>> -> memref<2048x1024xf32, #tpu.memory_space<hbm>>
    %dma_start3A_41 = arith.constant 0 : i32
    %dma_start3A_42 = tpu.memref_slice %dma_start3A_40[%mul3A_2, %dma_start3A_41] : memref<2048x1024xf32, #tpu.memory_space<hbm>> -> memref<32x1024xf32, #tpu.memory_space<hbm>>
    %dma_start3A_43 = arith.constant 0 : i32
    %dma_start3A_44 = arith.constant 0 : i32
    %dma_start3A_45 = tpu.memref_slice %arg3[%dma_start3A_33, %dma_start3A_43, %dma_start3A_44] : memref<4x2048x1024xf32, #tpu.memory_space<hbm>> -> memref<1x2048x1024xf32, #tpu.memory_space<hbm>>
    %dma_start3A_46 = tpu.memref_squeeze %dma_start3A_45 : memref<1x2048x1024xf32, #tpu.memory_space<hbm>> -> memref<2048x1024xf32, #tpu.memory_space<hbm>>
    %dma_start3A_47 = arith.constant 0 : i32
    %dma_start3A_48 = tpu.memref_slice %dma_start3A_46[%mul3A_2, %dma_start3A_47] : memref<2048x1024xf32, #tpu.memory_space<hbm>> -> memref<32x1024xf32, #tpu.memory_space<hbm>>
    %dma_start3A_49 = arith.constant 0 : i32
    %dma_start3A_50 = arith.constant 0 : i32
    %dma_start3A_51 = tpu.memref_slice %arg4[%dma_start3A_49, %dma_start3A_50] : memref<64x1024xf32, #tpu.memory_space<vmem>> -> memref<32x1024xf32, #tpu.memory_space<vmem>>
    tpu.enqueue_dma source(%dma_start3A_51 : memref<32x1024xf32, #tpu.memory_space<vmem>>) target(%dma_start3A_48 : memref<32x1024xf32, #tpu.memory_space<hbm>>) target_semaphore(%arg7 : memref<!tpu.dma_semaphore, #tpu.memory_space<semaphore_mem>>)
    %dma_start3A_52 = arith.constant 1 : i32
    %dma_start3A_53 = arith.constant 0 : i32
    %dma_start3A_54 = arith.constant 0 : i32
    %dma_start3A_55 = tpu.memref_slice %arg4[%dma_start3A_53, %dma_start3A_54] : memref<64x1024xf32, #tpu.memory_space<vmem>> -> memref<32x1024xf32, #tpu.memory_space<vmem>>
    %dma_start3A_56 = arith.constant 0 : i32
    %dma_start3A_57 = arith.constant 0 : i32
    %dma_start3A_58 = tpu.memref_slice %arg3[%dma_start3A_52, %dma_start3A_56, %dma_start3A_57] : memref<4x2048x1024xf32, #tpu.memory_space<hbm>> -> memref<1x2048x1024xf32, #tpu.memory_space<hbm>>
    %dma_start3A_59 = tpu.memref_squeeze %dma_start3A_58 : memref<1x2048x1024xf32, #tpu.memory_space<hbm>> -> memref<2048x1024xf32, #tpu.memory_space<hbm>>
    %dma_start3A_60 = arith.constant 0 : i32
    %dma_start3A_61 = tpu.memref_slice %dma_start3A_59[%mul3A_2, %dma_start3A_60] : memref<2048x1024xf32, #tpu.memory_space<hbm>> -> memref<32x1024xf32, #tpu.memory_space<hbm>>
    %dma_start3A_62 = arith.constant 0 : i32
    %dma_start3A_63 = arith.constant 0 : i32
    %dma_start3A_64 = tpu.memref_slice %arg3[%dma_start3A_52, %dma_start3A_62, %dma_start3A_63] : memref<4x2048x1024xf32, #tpu.memory_space<hbm>> -> memref<1x2048x1024xf32, #tpu.memory_space<hbm>>
    %dma_start3A_65 = tpu.memref_squeeze %dma_start3A_64 : memref<1x2048x1024xf32, #tpu.memory_space<hbm>> -> memref<2048x1024xf32, #tpu.memory_space<hbm>>
    %dma_start3A_66 = arith.constant 0 : i32
    %dma_start3A_67 = tpu.memref_slice %dma_start3A_65[%mul3A_2, %dma_start3A_66] : memref<2048x1024xf32, #tpu.memory_space<hbm>> -> memref<32x1024xf32, #tpu.memory_space<hbm>>
    %dma_start3A_68 = arith.constant 0 : i32
    %dma_start3A_69 = arith.constant 0 : i32
    %dma_start3A_70 = tpu.memref_slice %arg4[%dma_start3A_68, %dma_start3A_69] : memref<64x1024xf32, #tpu.memory_space<vmem>> -> memref<32x1024xf32, #tpu.memory_space<vmem>>
    tpu.enqueue_dma source(%dma_start3A_70 : memref<32x1024xf32, #tpu.memory_space<vmem>>) target(%dma_start3A_67 : memref<32x1024xf32, #tpu.memory_space<hbm>>) target_semaphore(%arg7 : memref<!tpu.dma_semaphore, #tpu.memory_space<semaphore_mem>>)
    %dma_start3A_71 = arith.constant 2 : i32
    %dma_start3A_72 = arith.constant 0 : i32
    %dma_start3A_73 = arith.constant 0 : i32
    %dma_start3A_74 = tpu.memref_slice %arg4[%dma_start3A_72, %dma_start3A_73] : memref<64x1024xf32, #tpu.memory_space<vmem>> -> memref<32x1024xf32, #tpu.memory_space<vmem>>
    %dma_start3A_75 = arith.constant 0 : i32
    %dma_start3A_76 = arith.constant 0 : i32
    %dma_start3A_77 = tpu.memref_slice %arg3[%dma_start3A_71, %dma_start3A_75, %dma_start3A_76] : memref<4x2048x1024xf32, #tpu.memory_space<hbm>> -> memref<1x2048x1024xf32, #tpu.memory_space<hbm>>
    %dma_start3A_78 = tpu.memref_squeeze %dma_start3A_77 : memref<1x2048x1024xf32, #tpu.memory_space<hbm>> -> memref<2048x1024xf32, #tpu.memory_space<hbm>>
    %dma_start3A_79 = arith.constant 0 : i32
    %dma_start3A_80 = tpu.memref_slice %dma_start3A_78[%mul3A_2, %dma_start3A_79] : memref<2048x1024xf32, #tpu.memory_space<hbm>> -> memref<32x1024xf32, #tpu.memory_space<hbm>>
    %dma_start3A_81 = arith.constant 0 : i32
    %dma_start3A_82 = arith.constant 0 : i32
    %dma_start3A_83 = tpu.memref_slice %arg3[%dma_start3A_71, %dma_start3A_81, %dma_start3A_82] : memref<4x2048x1024xf32, #tpu.memory_space<hbm>> -> memref<1x2048x1024xf32, #tpu.memory_space<hbm>>
    %dma_start3A_84 = tpu.memref_squeeze %dma_start3A_83 : memref<1x2048x1024xf32, #tpu.memory_space<hbm>> -> memref<2048x1024xf32, #tpu.memory_space<hbm>>
    %dma_start3A_85 = arith.constant 0 : i32
    %dma_start3A_86 = tpu.memref_slice %dma_start3A_84[%mul3A_2, %dma_start3A_85] : memref<2048x1024xf32, #tpu.memory_space<hbm>> -> memref<32x1024xf32, #tpu.memory_space<hbm>>
    %dma_start3A_87 = arith.constant 0 : i32
    %dma_start3A_88 = arith.constant 0 : i32
    %dma_start3A_89 = tpu.memref_slice %arg4[%dma_start3A_87, %dma_start3A_88] : memref<64x1024xf32, #tpu.memory_space<vmem>> -> memref<32x1024xf32, #tpu.memory_space<vmem>>
    tpu.enqueue_dma source(%dma_start3A_89 : memref<32x1024xf32, #tpu.memory_space<vmem>>) target(%dma_start3A_86 : memref<32x1024xf32, #tpu.memory_space<hbm>>) target_semaphore(%arg7 : memref<!tpu.dma_semaphore, #tpu.memory_space<semaphore_mem>>)
    %dma_start3A_90 = arith.constant 3 : i32
    %dma_start3A_91 = arith.constant 0 : i32
    %dma_start3A_92 = arith.constant 0 : i32
    %dma_start3A_93 = tpu.memref_slice %arg4[%dma_start3A_91, %dma_start3A_92] : memref<64x1024xf32, #tpu.memory_space<vmem>> -> memref<32x1024xf32, #tpu.memory_space<vmem>>
    %dma_start3A_94 = arith.constant 0 : i32
    %dma_start3A_95 = arith.constant 0 : i32
    %dma_start3A_96 = tpu.memref_slice %arg3[%dma_start3A_90, %dma_start3A_94, %dma_start3A_95] : memref<4x2048x1024xf32, #tpu.memory_space<hbm>> -> memref<1x2048x1024xf32, #tpu.memory_space<hbm>>
    %dma_start3A_97 = tpu.memref_squeeze %dma_start3A_96 : memref<1x2048x1024xf32, #tpu.memory_space<hbm>> -> memref<2048x1024xf32, #tpu.memory_space<hbm>>
    %dma_start3A_98 = arith.constant 0 : i32
    %dma_start3A_99 = tpu.memref_slice %dma_start3A_97[%mul3A_2, %dma_start3A_98] : memref<2048x1024xf32, #tpu.memory_space<hbm>> -> memref<32x1024xf32, #tpu.memory_space<hbm>>
    %dma_start3A_100 = arith.constant 0 : i32
    %dma_start3A_101 = arith.constant 0 : i32
    %dma_start3A_102 = tpu.memref_slice %arg3[%dma_start3A_90, %dma_start3A_100, %dma_start3A_101] : memref<4x2048x1024xf32, #tpu.memory_space<hbm>> -> memref<1x2048x1024xf32, #tpu.memory_space<hbm>>
    %dma_start3A_103 = tpu.memref_squeeze %dma_start3A_102 : memref<1x2048x1024xf32, #tpu.memory_space<hbm>> -> memref<2048x1024xf32, #tpu.memory_space<hbm>>
    %dma_start3A_104 = arith.constant 0 : i32
    %dma_start3A_105 = tpu.memref_slice %dma_start3A_103[%mul3A_2, %dma_start3A_104] : memref<2048x1024xf32, #tpu.memory_space<hbm>> -> memref<32x1024xf32, #tpu.memory_space<hbm>>
    %dma_start3A_106 = arith.constant 0 : i32
    %dma_start3A_107 = arith.constant 0 : i32
    %dma_start3A_108 = tpu.memref_slice %arg4[%dma_start3A_106, %dma_start3A_107] : memref<64x1024xf32, #tpu.memory_space<vmem>> -> memref<32x1024xf32, #tpu.memory_space<vmem>>
    tpu.enqueue_dma source(%dma_start3A_108 : memref<32x1024xf32, #tpu.memory_space<vmem>>) target(%dma_start3A_105 : memref<32x1024xf32, #tpu.memory_space<hbm>>) target_semaphore(%arg7 : memref<!tpu.dma_semaphore, #tpu.memory_space<semaphore_mem>>)
    %dma_wait3A_109 = arith.constant 32 : i32
    %dma_wait3A_110 = arith.constant 0 : i32
    %dma_wait3A_111 = tpu.memref_slice %arg4[%dma_wait3A_109, %dma_wait3A_110] : memref<64x1024xf32, #tpu.memory_space<vmem>> -> memref<32x1024xf32, #tpu.memory_space<vmem>>
    %dma_wait3A_112 = arith.constant 0 : i32
    %dma_wait3A_113 = tpu.memref_slice %arg2[%add3A_13, %dma_wait3A_112] : memref<2048x1024xf32, #tpu.memory_space<hbm>> -> memref<32x1024xf32, #tpu.memory_space<hbm>>
    %dma_wait3A_114 = arith.constant 32 : i32
    %dma_wait3A_115 = arith.constant 0 : i32
    %dma_wait3A_116 = tpu.memref_slice %arg4[%dma_wait3A_114, %dma_wait3A_115] : memref<64x1024xf32, #tpu.memory_space<vmem>> -> memref<32x1024xf32, #tpu.memory_space<vmem>>
    %dma_wait3A_117 = arith.constant 0 : i32
    %dma_wait3A_118 = tpu.memref_slice %arg2[%add3A_13, %dma_wait3A_117] : memref<2048x1024xf32, #tpu.memory_space<hbm>> -> memref<32x1024xf32, #tpu.memory_space<hbm>>
    tpu.wait_dma2 semaphore(%arg6 : memref<!tpu.dma_semaphore, #tpu.memory_space<semaphore_mem>>) src(%dma_wait3A_118 : memref<32x1024xf32, #tpu.memory_space<hbm>>) dst(%dma_wait3A_116 : memref<32x1024xf32, #tpu.memory_space<vmem>>)
    %add3A_119 = arith.constant 32 : i32
    %add3A_120 = arith.addi %mul3A_2, %add3A_119 : i32
    %dma_start3A_121 = arith.constant 0 : i32
    %dma_start3A_122 = arith.constant 32 : i32
    %dma_start3A_123 = arith.constant 0 : i32
    %dma_start3A_124 = tpu.memref_slice %arg4[%dma_start3A_122, %dma_start3A_123] : memref<64x1024xf32, #tpu.memory_space<vmem>> -> memref<32x1024xf32, #tpu.memory_space<vmem>>
    %dma_start3A_125 = arith.constant 0 : i32
    %dma_start3A_126 = arith.constant 0 : i32
    %dma_start3A_127 = tpu.memref_slice %arg3[%dma_start3A_121, %dma_start3A_125, %dma_start3A_126] : memref<4x2048x1024xf32, #tpu.memory_space<hbm>> -> memref<1x2048x1024xf32, #tpu.memory_space<hbm>>
    %dma_start3A_128 = tpu.memref_squeeze %dma_start3A_127 : memref<1x2048x1024xf32, #tpu.memory_space<hbm>> -> memref<2048x1024xf32, #tpu.memory_space<hbm>>
    %dma_start3A_129 = arith.constant 0 : i32
    %dma_start3A_130 = tpu.memref_slice %dma_start3A_128[%add3A_120, %dma_start3A_129] : memref<2048x1024xf32, #tpu.memory_space<hbm>> -> memref<32x1024xf32, #tpu.memory_space<hbm>>
    %dma_start3A_131 = arith.constant 0 : i32
    %dma_start3A_132 = arith.constant 0 : i32
    %dma_start3A_133 = tpu.memref_slice %arg3[%dma_start3A_121, %dma_start3A_131, %dma_start3A_132] : memref<4x2048x1024xf32, #tpu.memory_space<hbm>> -> memref<1x2048x1024xf32, #tpu.memory_space<hbm>>
    %dma_start3A_134 = tpu.memref_squeeze %dma_start3A_133 : memref<1x2048x1024xf32, #tpu.memory_space<hbm>> -> memref<2048x1024xf32, #tpu.memory_space<hbm>>
    %dma_start3A_135 = arith.constant 0 : i32
    %dma_start3A_136 = tpu.memref_slice %dma_start3A_134[%add3A_120, %dma_start3A_135] : memref<2048x1024xf32, #tpu.memory_space<hbm>> -> memref<32x1024xf32, #tpu.memory_space<hbm>>
    %dma_start3A_137 = arith.constant 32 : i32
    %dma_start3A_138 = arith.constant 0 : i32
    %dma_start3A_139 = tpu.memref_slice %arg4[%dma_start3A_137, %dma_start3A_138] : memref<64x1024xf32, #tpu.memory_space<vmem>> -> memref<32x1024xf32, #tpu.memory_space<vmem>>
    tpu.enqueue_dma source(%dma_start3A_139 : memref<32x1024xf32, #tpu.memory_space<vmem>>) target(%dma_start3A_136 : memref<32x1024xf32, #tpu.memory_space<hbm>>) target_semaphore(%arg7 : memref<!tpu.dma_semaphore, #tpu.memory_space<semaphore_mem>>)
    %add3A_140 = arith.constant 32 : i32
    %add3A_141 = arith.addi %mul3A_2, %add3A_140 : i32
    %dma_start3A_142 = arith.constant 1 : i32
    %dma_start3A_143 = arith.constant 32 : i32
    %dma_start3A_144 = arith.constant 0 : i32
    %dma_start3A_145 = tpu.memref_slice %arg4[%dma_start3A_143, %dma_start3A_144] : memref<64x1024xf32, #tpu.memory_space<vmem>> -> memref<32x1024xf32, #tpu.memory_space<vmem>>
    %dma_start3A_146 = arith.constant 0 : i32
    %dma_start3A_147 = arith.constant 0 : i32
    %dma_start3A_148 = tpu.memref_slice %arg3[%dma_start3A_142, %dma_start3A_146, %dma_start3A_147] : memref<4x2048x1024xf32, #tpu.memory_space<hbm>> -> memref<1x2048x1024xf32, #tpu.memory_space<hbm>>
    %dma_start3A_149 = tpu.memref_squeeze %dma_start3A_148 : memref<1x2048x1024xf32, #tpu.memory_space<hbm>> -> memref<2048x1024xf32, #tpu.memory_space<hbm>>
    %dma_start3A_150 = arith.constant 0 : i32
    %dma_start3A_151 = tpu.memref_slice %dma_start3A_149[%add3A_141, %dma_start3A_150] : memref<2048x1024xf32, #tpu.memory_space<hbm>> -> memref<32x1024xf32, #tpu.memory_space<hbm>>
    %dma_start3A_152 = arith.constant 0 : i32
    %dma_start3A_153 = arith.constant 0 : i32
    %dma_start3A_154 = tpu.memref_slice %arg3[%dma_start3A_142, %dma_start3A_152, %dma_start3A_153] : memref<4x2048x1024xf32, #tpu.memory_space<hbm>> -> memref<1x2048x1024xf32, #tpu.memory_space<hbm>>
    %dma_start3A_155 = tpu.memref_squeeze %dma_start3A_154 : memref<1x2048x1024xf32, #tpu.memory_space<hbm>> -> memref<2048x1024xf32, #tpu.memory_space<hbm>>
    %dma_start3A_156 = arith.constant 0 : i32
    %dma_start3A_157 = tpu.memref_slice %dma_start3A_155[%add3A_141, %dma_start3A_156] : memref<2048x1024xf32, #tpu.memory_space<hbm>> -> memref<32x1024xf32, #tpu.memory_space<hbm>>
    %dma_start3A_158 = arith.constant 32 : i32
    %dma_start3A_159 = arith.constant 0 : i32
    %dma_start3A_160 = tpu.memref_slice %arg4[%dma_start3A_158, %dma_start3A_159] : memref<64x1024xf32, #tpu.memory_space<vmem>> -> memref<32x1024xf32, #tpu.memory_space<vmem>>
    tpu.enqueue_dma source(%dma_start3A_160 : memref<32x1024xf32, #tpu.memory_space<vmem>>) target(%dma_start3A_157 : memref<32x1024xf32, #tpu.memory_space<hbm>>) target_semaphore(%arg7 : memref<!tpu.dma_semaphore, #tpu.memory_space<semaphore_mem>>)
    %add3A_161 = arith.constant 32 : i32
    %add3A_162 = arith.addi %mul3A_2, %add3A_161 : i32
    %dma_start3A_163 = arith.constant 2 : i32
    %dma_start3A_164 = arith.constant 32 : i32
    %dma_start3A_165 = arith.constant 0 : i32
    %dma_start3A_166 = tpu.memref_slice %arg4[%dma_start3A_164, %dma_start3A_165] : memref<64x1024xf32, #tpu.memory_space<vmem>> -> memref<32x1024xf32, #tpu.memory_space<vmem>>
    %dma_start3A_167 = arith.constant 0 : i32
    %dma_start3A_168 = arith.constant 0 : i32
    %dma_start3A_169 = tpu.memref_slice %arg3[%dma_start3A_163, %dma_start3A_167, %dma_start3A_168] : memref<4x2048x1024xf32, #tpu.memory_space<hbm>> -> memref<1x2048x1024xf32, #tpu.memory_space<hbm>>
    %dma_start3A_170 = tpu.memref_squeeze %dma_start3A_169 : memref<1x2048x1024xf32, #tpu.memory_space<hbm>> -> memref<2048x1024xf32, #tpu.memory_space<hbm>>
    %dma_start3A_171 = arith.constant 0 : i32
    %dma_start3A_172 = tpu.memref_slice %dma_start3A_170[%add3A_162, %dma_start3A_171] : memref<2048x1024xf32, #tpu.memory_space<hbm>> -> memref<32x1024xf32, #tpu.memory_space<hbm>>
    %dma_start3A_173 = arith.constant 0 : i32
    %dma_start3A_174 = arith.constant 0 : i32
    %dma_start3A_175 = tpu.memref_slice %arg3[%dma_start3A_163, %dma_start3A_173, %dma_start3A_174] : memref<4x2048x1024xf32, #tpu.memory_space<hbm>> -> memref<1x2048x1024xf32, #tpu.memory_space<hbm>>
    %dma_start3A_176 = tpu.memref_squeeze %dma_start3A_175 : memref<1x2048x1024xf32, #tpu.memory_space<hbm>> -> memref<2048x1024xf32, #tpu.memory_space<hbm>>
    %dma_start3A_177 = arith.constant 0 : i32
    %dma_start3A_178 = tpu.memref_slice %dma_start3A_176[%add3A_162, %dma_start3A_177] : memref<2048x1024xf32, #tpu.memory_space<hbm>> -> memref<32x1024xf32, #tpu.memory_space<hbm>>
    %dma_start3A_179 = arith.constant 32 : i32
    %dma_start3A_180 = arith.constant 0 : i32
    %dma_start3A_181 = tpu.memref_slice %arg4[%dma_start3A_179, %dma_start3A_180] : memref<64x1024xf32, #tpu.memory_space<vmem>> -> memref<32x1024xf32, #tpu.memory_space<vmem>>
    tpu.enqueue_dma source(%dma_start3A_181 : memref<32x1024xf32, #tpu.memory_space<vmem>>) target(%dma_start3A_178 : memref<32x1024xf32, #tpu.memory_space<hbm>>) target_semaphore(%arg7 : memref<!tpu.dma_semaphore, #tpu.memory_space<semaphore_mem>>)
    %add3A_182 = arith.constant 32 : i32
    %add3A_183 = arith.addi %mul3A_2, %add3A_182 : i32
    %dma_start3A_184 = arith.constant 3 : i32
    %dma_start3A_185 = arith.constant 32 : i32
    %dma_start3A_186 = arith.constant 0 : i32
    %dma_start3A_187 = tpu.memref_slice %arg4[%dma_start3A_185, %dma_start3A_186] : memref<64x1024xf32, #tpu.memory_space<vmem>> -> memref<32x1024xf32, #tpu.memory_space<vmem>>
    %dma_start3A_188 = arith.constant 0 : i32
    %dma_start3A_189 = arith.constant 0 : i32
    %dma_start3A_190 = tpu.memref_slice %arg3[%dma_start3A_184, %dma_start3A_188, %dma_start3A_189] : memref<4x2048x1024xf32, #tpu.memory_space<hbm>> -> memref<1x2048x1024xf32, #tpu.memory_space<hbm>>
    %dma_start3A_191 = tpu.memref_squeeze %dma_start3A_190 : memref<1x2048x1024xf32, #tpu.memory_space<hbm>> -> memref<2048x1024xf32, #tpu.memory_space<hbm>>
    %dma_start3A_192 = arith.constant 0 : i32
    %dma_start3A_193 = tpu.memref_slice %dma_start3A_191[%add3A_183, %dma_start3A_192] : memref<2048x1024xf32, #tpu.memory_space<hbm>> -> memref<32x1024xf32, #tpu.memory_space<hbm>>
    %dma_start3A_194 = arith.constant 0 : i32
    %dma_start3A_195 = arith.constant 0 : i32
    %dma_start3A_196 = tpu.memref_slice %arg3[%dma_start3A_184, %dma_start3A_194, %dma_start3A_195] : memref<4x2048x1024xf32, #tpu.memory_space<hbm>> -> memref<1x2048x1024xf32, #tpu.memory_space<hbm>>
    %dma_start3A_197 = tpu.memref_squeeze %dma_start3A_196 : memref<1x2048x1024xf32, #tpu.memory_space<hbm>> -> memref<2048x1024xf32, #tpu.memory_space<hbm>>
    %dma_start3A_198 = arith.constant 0 : i32
    %dma_start3A_199 = tpu.memref_slice %dma_start3A_197[%add3A_183, %dma_start3A_198] : memref<2048x1024xf32, #tpu.memory_space<hbm>> -> memref<32x1024xf32, #tpu.memory_space<hbm>>
    %dma_start3A_200 = arith.constant 32 : i32
    %dma_start3A_201 = arith.constant 0 : i32
    %dma_start3A_202 = tpu.memref_slice %arg4[%dma_start3A_200, %dma_start3A_201] : memref<64x1024xf32, #tpu.memory_space<vmem>> -> memref<32x1024xf32, #tpu.memory_space<vmem>>
    tpu.enqueue_dma source(%dma_start3A_202 : memref<32x1024xf32, #tpu.memory_space<vmem>>) target(%dma_start3A_199 : memref<32x1024xf32, #tpu.memory_space<hbm>>) target_semaphore(%arg7 : memref<!tpu.dma_semaphore, #tpu.memory_space<semaphore_mem>>)
    %dma_wait3A_203 = arith.constant 0 : i32
    %dma_wait3A_204 = arith.constant 0 : i32
    %dma_wait3A_205 = arith.constant 0 : i32
    %dma_wait3A_206 = tpu.memref_slice %arg4[%dma_wait3A_204, %dma_wait3A_205] : memref<64x1024xf32, #tpu.memory_space<vmem>> -> memref<32x1024xf32, #tpu.memory_space<vmem>>
    %dma_wait3A_207 = arith.constant 0 : i32
    %dma_wait3A_208 = arith.constant 0 : i32
    %dma_wait3A_209 = tpu.memref_slice %arg3[%dma_wait3A_203, %dma_wait3A_207, %dma_wait3A_208] : memref<4x2048x1024xf32, #tpu.memory_space<hbm>> -> memref<1x2048x1024xf32, #tpu.memory_space<hbm>>
    %dma_wait3A_210 = tpu.memref_squeeze %dma_wait3A_209 : memref<1x2048x1024xf32, #tpu.memory_space<hbm>> -> memref<2048x1024xf32, #tpu.memory_space<hbm>>
    %dma_wait3A_211 = arith.constant 0 : i32
    %dma_wait3A_212 = tpu.memref_slice %dma_wait3A_210[%mul3A_2, %dma_wait3A_211] : memref<2048x1024xf32, #tpu.memory_space<hbm>> -> memref<32x1024xf32, #tpu.memory_space<hbm>>
    %dma_wait3A_213 = arith.constant 0 : i32
    %dma_wait3A_214 = arith.constant 0 : i32
    %dma_wait3A_215 = tpu.memref_slice %arg3[%dma_wait3A_203, %dma_wait3A_213, %dma_wait3A_214] : memref<4x2048x1024xf32, #tpu.memory_space<hbm>> -> memref<1x2048x1024xf32, #tpu.memory_space<hbm>>
    %dma_wait3A_216 = tpu.memref_squeeze %dma_wait3A_215 : memref<1x2048x1024xf32, #tpu.memory_space<hbm>> -> memref<2048x1024xf32, #tpu.memory_space<hbm>>
    %dma_wait3A_217 = arith.constant 0 : i32
    %dma_wait3A_218 = tpu.memref_slice %dma_wait3A_216[%mul3A_2, %dma_wait3A_217] : memref<2048x1024xf32, #tpu.memory_space<hbm>> -> memref<32x1024xf32, #tpu.memory_space<hbm>>
    %dma_wait3A_219 = arith.constant 0 : i32
    %dma_wait3A_220 = arith.constant 0 : i32
    %dma_wait3A_221 = tpu.memref_slice %arg4[%dma_wait3A_219, %dma_wait3A_220] : memref<64x1024xf32, #tpu.memory_space<vmem>> -> memref<32x1024xf32, #tpu.memory_space<vmem>>
    tpu.wait_dma2 semaphore(%arg7 : memref<!tpu.dma_semaphore, #tpu.memory_space<semaphore_mem>>) src(%dma_wait3A_221 : memref<32x1024xf32, #tpu.memory_space<vmem>>) dst(%dma_wait3A_218 : memref<32x1024xf32, #tpu.memory_space<hbm>>)
    %dma_wait3A_222 = arith.constant 1 : i32
    %dma_wait3A_223 = arith.constant 0 : i32
    %dma_wait3A_224 = arith.constant 0 : i32
    %dma_wait3A_225 = tpu.memref_slice %arg4[%dma_wait3A_223, %dma_wait3A_224] : memref<64x1024xf32, #tpu.memory_space<vmem>> -> memref<32x1024xf32, #tpu.memory_space<vmem>>
    %dma_wait3A_226 = arith.constant 0 : i32
    %dma_wait3A_227 = arith.constant 0 : i32
    %dma_wait3A_228 = tpu.memref_slice %arg3[%dma_wait3A_222, %dma_wait3A_226, %dma_wait3A_227] : memref<4x2048x1024xf32, #tpu.memory_space<hbm>> -> memref<1x2048x1024xf32, #tpu.memory_space<hbm>>
    %dma_wait3A_229 = tpu.memref_squeeze %dma_wait3A_228 : memref<1x2048x1024xf32, #tpu.memory_space<hbm>> -> memref<2048x1024xf32, #tpu.memory_space<hbm>>
    %dma_wait3A_230 = arith.constant 0 : i32
    %dma_wait3A_231 = tpu.memref_slice %dma_wait3A_229[%mul3A_2, %dma_wait3A_230] : memref<2048x1024xf32, #tpu.memory_space<hbm>> -> memref<32x1024xf32, #tpu.memory_space<hbm>>
    %dma_wait3A_232 = arith.constant 0 : i32
    %dma_wait3A_233 = arith.constant 0 : i32
    %dma_wait3A_234 = tpu.memref_slice %arg3[%dma_wait3A_222, %dma_wait3A_232, %dma_wait3A_233] : memref<4x2048x1024xf32, #tpu.memory_space<hbm>> -> memref<1x2048x1024xf32, #tpu.memory_space<hbm>>
    %dma_wait3A_235 = tpu.memref_squeeze %dma_wait3A_234 : memref<1x2048x1024xf32, #tpu.memory_space<hbm>> -> memref<2048x1024xf32, #tpu.memory_space<hbm>>
    %dma_wait3A_236 = arith.constant 0 : i32
    %dma_wait3A_237 = tpu.memref_slice %dma_wait3A_235[%mul3A_2, %dma_wait3A_236] : memref<2048x1024xf32, #tpu.memory_space<hbm>> -> memref<32x1024xf32, #tpu.memory_space<hbm>>
    %dma_wait3A_238 = arith.constant 0 : i32
    %dma_wait3A_239 = arith.constant 0 : i32
    %dma_wait3A_240 = tpu.memref_slice %arg4[%dma_wait3A_238, %dma_wait3A_239] : memref<64x1024xf32, #tpu.memory_space<vmem>> -> memref<32x1024xf32, #tpu.memory_space<vmem>>
    tpu.wait_dma2 semaphore(%arg7 : memref<!tpu.dma_semaphore, #tpu.memory_space<semaphore_mem>>) src(%dma_wait3A_240 : memref<32x1024xf32, #tpu.memory_space<vmem>>) dst(%dma_wait3A_237 : memref<32x1024xf32, #tpu.memory_space<hbm>>)
    %dma_wait3A_241 = arith.constant 2 : i32
    %dma_wait3A_242 = arith.constant 0 : i32
    %dma_wait3A_243 = arith.constant 0 : i32
    %dma_wait3A_244 = tpu.memref_slice %arg4[%dma_wait3A_242, %dma_wait3A_243] : memref<64x1024xf32, #tpu.memory_space<vmem>> -> memref<32x1024xf32, #tpu.memory_space<vmem>>
    %dma_wait3A_245 = arith.constant 0 : i32
    %dma_wait3A_246 = arith.constant 0 : i32
    %dma_wait3A_247 = tpu.memref_slice %arg3[%dma_wait3A_241, %dma_wait3A_245, %dma_wait3A_246] : memref<4x2048x1024xf32, #tpu.memory_space<hbm>> -> memref<1x2048x1024xf32, #tpu.memory_space<hbm>>
    %dma_wait3A_248 = tpu.memref_squeeze %dma_wait3A_247 : memref<1x2048x1024xf32, #tpu.memory_space<hbm>> -> memref<2048x1024xf32, #tpu.memory_space<hbm>>
    %dma_wait3A_249 = arith.constant 0 : i32
    %dma_wait3A_250 = tpu.memref_slice %dma_wait3A_248[%mul3A_2, %dma_wait3A_249] : memref<2048x1024xf32, #tpu.memory_space<hbm>> -> memref<32x1024xf32, #tpu.memory_space<hbm>>
    %dma_wait3A_251 = arith.constant 0 : i32
    %dma_wait3A_252 = arith.constant 0 : i32
    %dma_wait3A_253 = tpu.memref_slice %arg3[%dma_wait3A_241, %dma_wait3A_251, %dma_wait3A_252] : memref<4x2048x1024xf32, #tpu.memory_space<hbm>> -> memref<1x2048x1024xf32, #tpu.memory_space<hbm>>
    %dma_wait3A_254 = tpu.memref_squeeze %dma_wait3A_253 : memref<1x2048x1024xf32, #tpu.memory_space<hbm>> -> memref<2048x1024xf32, #tpu.memory_space<hbm>>
    %dma_wait3A_255 = arith.constant 0 : i32
    %dma_wait3A_256 = tpu.memref_slice %dma_wait3A_254[%mul3A_2, %dma_wait3A_255] : memref<2048x1024xf32, #tpu.memory_space<hbm>> -> memref<32x1024xf32, #tpu.memory_space<hbm>>
    %dma_wait3A_257 = arith.constant 0 : i32
    %dma_wait3A_258 = arith.constant 0 : i32
    %dma_wait3A_259 = tpu.memref_slice %arg4[%dma_wait3A_257, %dma_wait3A_258] : memref<64x1024xf32, #tpu.memory_space<vmem>> -> memref<32x1024xf32, #tpu.memory_space<vmem>>
    tpu.wait_dma2 semaphore(%arg7 : memref<!tpu.dma_semaphore, #tpu.memory_space<semaphore_mem>>) src(%dma_wait3A_259 : memref<32x1024xf32, #tpu.memory_space<vmem>>) dst(%dma_wait3A_256 : memref<32x1024xf32, #tpu.memory_space<hbm>>)
    %dma_wait3A_260 = arith.constant 3 : i32
    %dma_wait3A_261 = arith.constant 0 : i32
    %dma_wait3A_262 = arith.constant 0 : i32
    %dma_wait3A_263 = tpu.memref_slice %arg4[%dma_wait3A_261, %dma_wait3A_262] : memref<64x1024xf32, #tpu.memory_space<vmem>> -> memref<32x1024xf32, #tpu.memory_space<vmem>>
    %dma_wait3A_264 = arith.constant 0 : i32
    %dma_wait3A_265 = arith.constant 0 : i32
    %dma_wait3A_266 = tpu.memref_slice %arg3[%dma_wait3A_260, %dma_wait3A_264, %dma_wait3A_265] : memref<4x2048x1024xf32, #tpu.memory_space<hbm>> -> memref<1x2048x1024xf32, #tpu.memory_space<hbm>>
    %dma_wait3A_267 = tpu.memref_squeeze %dma_wait3A_266 : memref<1x2048x1024xf32, #tpu.memory_space<hbm>> -> memref<2048x1024xf32, #tpu.memory_space<hbm>>
    %dma_wait3A_268 = arith.constant 0 : i32
    %dma_wait3A_269 = tpu.memref_slice %dma_wait3A_267[%mul3A_2, %dma_wait3A_268] : memref<2048x1024xf32, #tpu.memory_space<hbm>> -> memref<32x1024xf32, #tpu.memory_space<hbm>>
    %dma_wait3A_270 = arith.constant 0 : i32
    %dma_wait3A_271 = arith.constant 0 : i32
    %dma_wait3A_272 = tpu.memref_slice %arg3[%dma_wait3A_260, %dma_wait3A_270, %dma_wait3A_271] : memref<4x2048x1024xf32, #tpu.memory_space<hbm>> -> memref<1x2048x1024xf32, #tpu.memory_space<hbm>>
    %dma_wait3A_273 = tpu.memref_squeeze %dma_wait3A_272 : memref<1x2048x1024xf32, #tpu.memory_space<hbm>> -> memref<2048x1024xf32, #tpu.memory_space<hbm>>
    %dma_wait3A_274 = arith.constant 0 : i32
    %dma_wait3A_275 = tpu.memref_slice %dma_wait3A_273[%mul3A_2, %dma_wait3A_274] : memref<2048x1024xf32, #tpu.memory_space<hbm>> -> memref<32x1024xf32, #tpu.memory_space<hbm>>
    %dma_wait3A_276 = arith.constant 0 : i32
    %dma_wait3A_277 = arith.constant 0 : i32
    %dma_wait3A_278 = tpu.memref_slice %arg4[%dma_wait3A_276, %dma_wait3A_277] : memref<64x1024xf32, #tpu.memory_space<vmem>> -> memref<32x1024xf32, #tpu.memory_space<vmem>>
    tpu.wait_dma2 semaphore(%arg7 : memref<!tpu.dma_semaphore, #tpu.memory_space<semaphore_mem>>) src(%dma_wait3A_278 : memref<32x1024xf32, #tpu.memory_space<vmem>>) dst(%dma_wait3A_275 : memref<32x1024xf32, #tpu.memory_space<hbm>>)
    %dma_wait3A_279 = arith.constant 0 : i32
    %dma_wait3A_280 = arith.constant 32 : i32
    %dma_wait3A_281 = arith.constant 0 : i32
    %dma_wait3A_282 = tpu.memref_slice %arg4[%dma_wait3A_280, %dma_wait3A_281] : memref<64x1024xf32, #tpu.memory_space<vmem>> -> memref<32x1024xf32, #tpu.memory_space<vmem>>
    %dma_wait3A_283 = arith.constant 0 : i32
    %dma_wait3A_284 = arith.constant 0 : i32
    %dma_wait3A_285 = tpu.memref_slice %arg3[%dma_wait3A_279, %dma_wait3A_283, %dma_wait3A_284] : memref<4x2048x1024xf32, #tpu.memory_space<hbm>> -> memref<1x2048x1024xf32, #tpu.memory_space<hbm>>
    %dma_wait3A_286 = tpu.memref_squeeze %dma_wait3A_285 : memref<1x2048x1024xf32, #tpu.memory_space<hbm>> -> memref<2048x1024xf32, #tpu.memory_space<hbm>>
    %dma_wait3A_287 = arith.constant 0 : i32
    %dma_wait3A_288 = tpu.memref_slice %dma_wait3A_286[%add3A_120, %dma_wait3A_287] : memref<2048x1024xf32, #tpu.memory_space<hbm>> -> memref<32x1024xf32, #tpu.memory_space<hbm>>
    %dma_wait3A_289 = arith.constant 0 : i32
    %dma_wait3A_290 = arith.constant 0 : i32
    %dma_wait3A_291 = tpu.memref_slice %arg3[%dma_wait3A_279, %dma_wait3A_289, %dma_wait3A_290] : memref<4x2048x1024xf32, #tpu.memory_space<hbm>> -> memref<1x2048x1024xf32, #tpu.memory_space<hbm>>
    %dma_wait3A_292 = tpu.memref_squeeze %dma_wait3A_291 : memref<1x2048x1024xf32, #tpu.memory_space<hbm>> -> memref<2048x1024xf32, #tpu.memory_space<hbm>>
    %dma_wait3A_293 = arith.constant 0 : i32
    %dma_wait3A_294 = tpu.memref_slice %dma_wait3A_292[%add3A_120, %dma_wait3A_293] : memref<2048x1024xf32, #tpu.memory_space<hbm>> -> memref<32x1024xf32, #tpu.memory_space<hbm>>
    %dma_wait3A_295 = arith.constant 32 : i32
    %dma_wait3A_296 = arith.constant 0 : i32
    %dma_wait3A_297 = tpu.memref_slice %arg4[%dma_wait3A_295, %dma_wait3A_296] : memref<64x1024xf32, #tpu.memory_space<vmem>> -> memref<32x1024xf32, #tpu.memory_space<vmem>>
    tpu.wait_dma2 semaphore(%arg7 : memref<!tpu.dma_semaphore, #tpu.memory_space<semaphore_mem>>) src(%dma_wait3A_297 : memref<32x1024xf32, #tpu.memory_space<vmem>>) dst(%dma_wait3A_294 : memref<32x1024xf32, #tpu.memory_space<hbm>>)
    %dma_wait3A_298 = arith.constant 1 : i32
    %dma_wait3A_299 = arith.constant 32 : i32
    %dma_wait3A_300 = arith.constant 0 : i32
    %dma_wait3A_301 = tpu.memref_slice %arg4[%dma_wait3A_299, %dma_wait3A_300] : memref<64x1024xf32, #tpu.memory_space<vmem>> -> memref<32x1024xf32, #tpu.memory_space<vmem>>
    %dma_wait3A_302 = arith.constant 0 : i32
    %dma_wait3A_303 = arith.constant 0 : i32
    %dma_wait3A_304 = tpu.memref_slice %arg3[%dma_wait3A_298, %dma_wait3A_302, %dma_wait3A_303] : memref<4x2048x1024xf32, #tpu.memory_space<hbm>> -> memref<1x2048x1024xf32, #tpu.memory_space<hbm>>
    %dma_wait3A_305 = tpu.memref_squeeze %dma_wait3A_304 : memref<1x2048x1024xf32, #tpu.memory_space<hbm>> -> memref<2048x1024xf32, #tpu.memory_space<hbm>>
    %dma_wait3A_306 = arith.constant 0 : i32
    %dma_wait3A_307 = tpu.memref_slice %dma_wait3A_305[%add3A_141, %dma_wait3A_306] : memref<2048x1024xf32, #tpu.memory_space<hbm>> -> memref<32x1024xf32, #tpu.memory_space<hbm>>
    %dma_wait3A_308 = arith.constant 0 : i32
    %dma_wait3A_309 = arith.constant 0 : i32
    %dma_wait3A_310 = tpu.memref_slice %arg3[%dma_wait3A_298, %dma_wait3A_308, %dma_wait3A_309] : memref<4x2048x1024xf32, #tpu.memory_space<hbm>> -> memref<1x2048x1024xf32, #tpu.memory_space<hbm>>
    %dma_wait3A_311 = tpu.memref_squeeze %dma_wait3A_310 : memref<1x2048x1024xf32, #tpu.memory_space<hbm>> -> memref<2048x1024xf32, #tpu.memory_space<hbm>>
    %dma_wait3A_312 = arith.constant 0 : i32
    %dma_wait3A_313 = tpu.memref_slice %dma_wait3A_311[%add3A_141, %dma_wait3A_312] : memref<2048x1024xf32, #tpu.memory_space<hbm>> -> memref<32x1024xf32, #tpu.memory_space<hbm>>
    %dma_wait3A_314 = arith.constant 32 : i32
    %dma_wait3A_315 = arith.constant 0 : i32
    %dma_wait3A_316 = tpu.memref_slice %arg4[%dma_wait3A_314, %dma_wait3A_315] : memref<64x1024xf32, #tpu.memory_space<vmem>> -> memref<32x1024xf32, #tpu.memory_space<vmem>>
    tpu.wait_dma2 semaphore(%arg7 : memref<!tpu.dma_semaphore, #tpu.memory_space<semaphore_mem>>) src(%dma_wait3A_316 : memref<32x1024xf32, #tpu.memory_space<vmem>>) dst(%dma_wait3A_313 : memref<32x1024xf32, #tpu.memory_space<hbm>>)
    %dma_wait3A_317 = arith.constant 2 : i32
    %dma_wait3A_318 = arith.constant 32 : i32
    %dma_wait3A_319 = arith.constant 0 : i32
    %dma_wait3A_320 = tpu.memref_slice %arg4[%dma_wait3A_318, %dma_wait3A_319] : memref<64x1024xf32, #tpu.memory_space<vmem>> -> memref<32x1024xf32, #tpu.memory_space<vmem>>
    %dma_wait3A_321 = arith.constant 0 : i32
    %dma_wait3A_322 = arith.constant 0 : i32
    %dma_wait3A_323 = tpu.memref_slice %arg3[%dma_wait3A_317, %dma_wait3A_321, %dma_wait3A_322] : memref<4x2048x1024xf32, #tpu.memory_space<hbm>> -> memref<1x2048x1024xf32, #tpu.memory_space<hbm>>
    %dma_wait3A_324 = tpu.memref_squeeze %dma_wait3A_323 : memref<1x2048x1024xf32, #tpu.memory_space<hbm>> -> memref<2048x1024xf32, #tpu.memory_space<hbm>>
    %dma_wait3A_325 = arith.constant 0 : i32
    %dma_wait3A_326 = tpu.memref_slice %dma_wait3A_324[%add3A_162, %dma_wait3A_325] : memref<2048x1024xf32, #tpu.memory_space<hbm>> -> memref<32x1024xf32, #tpu.memory_space<hbm>>
    %dma_wait3A_327 = arith.constant 0 : i32
    %dma_wait3A_328 = arith.constant 0 : i32
    %dma_wait3A_329 = tpu.memref_slice %arg3[%dma_wait3A_317, %dma_wait3A_327, %dma_wait3A_328] : memref<4x2048x1024xf32, #tpu.memory_space<hbm>> -> memref<1x2048x1024xf32, #tpu.memory_space<hbm>>
    %dma_wait3A_330 = tpu.memref_squeeze %dma_wait3A_329 : memref<1x2048x1024xf32, #tpu.memory_space<hbm>> -> memref<2048x1024xf32, #tpu.memory_space<hbm>>
    %dma_wait3A_331 = arith.constant 0 : i32
    %dma_wait3A_332 = tpu.memref_slice %dma_wait3A_330[%add3A_162, %dma_wait3A_331] : memref<2048x1024xf32, #tpu.memory_space<hbm>> -> memref<32x1024xf32, #tpu.memory_space<hbm>>
    %dma_wait3A_333 = arith.constant 32 : i32
    %dma_wait3A_334 = arith.constant 0 : i32
    %dma_wait3A_335 = tpu.memref_slice %arg4[%dma_wait3A_333, %dma_wait3A_334] : memref<64x1024xf32, #tpu.memory_space<vmem>> -> memref<32x1024xf32, #tpu.memory_space<vmem>>
    tpu.wait_dma2 semaphore(%arg7 : memref<!tpu.dma_semaphore, #tpu.memory_space<semaphore_mem>>) src(%dma_wait3A_335 : memref<32x1024xf32, #tpu.memory_space<vmem>>) dst(%dma_wait3A_332 : memref<32x1024xf32, #tpu.memory_space<hbm>>)
    %dma_wait3A_336 = arith.constant 3 : i32
    %dma_wait3A_337 = arith.constant 32 : i32
    %dma_wait3A_338 = arith.constant 0 : i32
    %dma_wait3A_339 = tpu.memref_slice %arg4[%dma_wait3A_337, %dma_wait3A_338] : memref<64x1024xf32, #tpu.memory_space<vmem>> -> memref<32x1024xf32, #tpu.memory_space<vmem>>
    %dma_wait3A_340 = arith.constant 0 : i32
    %dma_wait3A_341 = arith.constant 0 : i32
    %dma_wait3A_342 = tpu.memref_slice %arg3[%dma_wait3A_336, %dma_wait3A_340, %dma_wait3A_341] : memref<4x2048x1024xf32, #tpu.memory_space<hbm>> -> memref<1x2048x1024xf32, #tpu.memory_space<hbm>>
    %dma_wait3A_343 = tpu.memref_squeeze %dma_wait3A_342 : memref<1x2048x1024xf32, #tpu.memory_space<hbm>> -> memref<2048x1024xf32, #tpu.memory_space<hbm>>
    %dma_wait3A_344 = arith.constant 0 : i32
    %dma_wait3A_345 = tpu.memref_slice %dma_wait3A_343[%add3A_183, %dma_wait3A_344] : memref<2048x1024xf32, #tpu.memory_space<hbm>> -> memref<32x1024xf32, #tpu.memory_space<hbm>>
    %dma_wait3A_346 = arith.constant 0 : i32
    %dma_wait3A_347 = arith.constant 0 : i32
    %dma_wait3A_348 = tpu.memref_slice %arg3[%dma_wait3A_336, %dma_wait3A_346, %dma_wait3A_347] : memref<4x2048x1024xf32, #tpu.memory_space<hbm>> -> memref<1x2048x1024xf32, #tpu.memory_space<hbm>>
    %dma_wait3A_349 = tpu.memref_squeeze %dma_wait3A_348 : memref<1x2048x1024xf32, #tpu.memory_space<hbm>> -> memref<2048x1024xf32, #tpu.memory_space<hbm>>
    %dma_wait3A_350 = arith.constant 0 : i32
    %dma_wait3A_351 = tpu.memref_slice %dma_wait3A_349[%add3A_183, %dma_wait3A_350] : memref<2048x1024xf32, #tpu.memory_space<hbm>> -> memref<32x1024xf32, #tpu.memory_space<hbm>>
    %dma_wait3A_352 = arith.constant 32 : i32
    %dma_wait3A_353 = arith.constant 0 : i32
    %dma_wait3A_354 = tpu.memref_slice %arg4[%dma_wait3A_352, %dma_wait3A_353] : memref<64x1024xf32, #tpu.memory_space<vmem>> -> memref<32x1024xf32, #tpu.memory_space<vmem>>
    tpu.wait_dma2 semaphore(%arg7 : memref<!tpu.dma_semaphore, #tpu.memory_space<semaphore_mem>>) src(%dma_wait3A_354 : memref<32x1024xf32, #tpu.memory_space<vmem>>) dst(%dma_wait3A_351 : memref<32x1024xf32, #tpu.memory_space<hbm>>)
    return
  }
}

</mosaic_0001>

<sc_bundles>
// kernel: kernel.3.cloned.1.call-start
scs
__scs_entry_jumppad:
0x0: {  	(pc) =	sbr.rel $0x88, $3  }
0x1: {  	(tag) =	ssettag $0x0;
	lr =	simm.s32 $0x1  }
0x2: {  	[smem:$0x3FA0] =	sst lr;
	_ =	strace $0xD0000000  }
0x3: {  	_ = 	snop  }
0x4: {  	_ = 	snop  }
0x5: {  	_ = 	snop  }
0x6: {  	_ = 	snop  }
0x7: {  	_ = 	snop  }
__scs_overlays_trampoline_lowered:
0x8: {  	[smem:$0x3FAF] =	sst s0  }
0x9: {  	[smem:$0x3FB0] =	sst s1  }
0xa: {  	[smem:$0x3FB1] =	sst s2  }
0xb: {  	[smem:$0x3FB2] =	sst s3  }
0xc: {  	[smem:$0x3FB3] =	sst s4  }
0xd: {  	[smem:$0x3FB4] =	sst s5  }
0xe: {  	[smem:$0x3FB5] =	sst s6  }
0xf: {  	[smem:$0x3FB6] =	sst s7  }
0x10: {  	[smem:$0x3FB7] =	sst s8  }
0x11: {  	[smem:$0x3FB8] =	sst s9;
	s0 =	simm.s32 @!p0 $0x0  }
0x12: {  	s1 =	sld [smem:$0x3F9E];
	s0 =	simm.s32 @p0 $0x1  }
0x13: {  	[smem:$0x3FB9] =	sst s0;
	s0 =	simm.s32 @!p1 $0x0  }
0x14: {  	s2 =	sld [smem:$0x3F9D];
	s0 =	simm.s32 @p1 $0x1  }
0x15: {  	[smem:$0x3FBA] =	sst s0;
	s0 =	simm.s32 @!p2 $0x0  }
0x16: {  	s3 =	sld [smem:$0x3FDB];
	s0 =	simm.s32 @p2 $0x1  }
0x17: {  	s4 =	simm.s32 $0x1BF5;
	[smem:$0x3FBC] =	sst s0  }
0x18: {  	s0 =	sld [smem:$0x3F9F];
	_ =	swait.ge [sflag:s4], $0x0  }
0x19: {  	s7 =	sld [smem:$0x3FA0]  }
0x1a: {  	s8 =	sadd.s32 $0xFFFFE003, lr  }
0x1b: {  	s9 =	sadd.s32 $0xFFFFFEF7, lr;
	s5 =	simm.s32 $0xFFFFFFFF;
	p2 =	slt.u32 s8, $0xFFFFF086  }
0x1c: {  	p1 =	slt.u32 s9, $0xF7A;
	s5 =	simm.s32 @!p2 $0x0  }
0x1d: {  	s5 =	simm.s32 @p1 $0x1;
	p0 =	seq.s32 s7, s2  }
0x1e: {  	s7 =	smul.u32 @!p0 $0xF7A, s2;
	p2 =	seq.s32 @!p0 s5, $0x0  }
0x1f: {  	s9 =	smul.u32 $0xF7A, s1;
	s8 =	simm.s32 @!p0 $0x1BF5;
	p2 =	por !p2, p0  }
0x20: {  	[sflag:s8] =	ssyncset.s32 @!p0 $0xFFFFF086;
	s6 =	sadd.s32 @!p0 s3, s7;
	s7 =	simm.s32 @!p0 $0x108  }
0x21: {  	s3 =	sadd.s32 s3, s9;
	s6 =	sadd.s32 @!p0 $0x88, s6;
	s7 =	simm.s32 @p2 $0x1082  }
0x22: {  	[simem:s7], [sflag:s8] =	dma.local @!p0 [hbm:s6], $0xF7A  }
0x23: {  	s9 =	sor.u32 $0xD0000000, s2;
	s6 =	simm.s32 $0x108;
	_ =	swait.ge @!p0 [sflag:s8], $0x0  }
0x24: {  	s3 =	sadd.s32 $0x88, s3;
	s6 =	simm.s32 @!p1 $0x1082;
	[sflag:s4] =	ssyncset.s32 $0xFFFFF086  }
0x25: {  	[simem:s6], [sflag:s4] =	dma.local [hbm:s3], $0xF7A  }
0x26: {  	[smem:$0x3FA0] =	sst s1;
	(tag) =	ssettag s2;
	_ =	strace s9  }
0x27: {  	s1 =	sld [smem:$0x3FB0]  }
0x28: {  	s2 =	sld [smem:$0x3FB1]  }
0x29: {  	s4 =	sld [smem:$0x3FB3]  }
0x2a: {  	p0 =	seq.s32 s5, $0x0;
	s5 =	sld [smem:$0x3FB4]  }
0x2b: {  	s6 =	sld [smem:$0x3FB5]  }
0x2c: {  	s7 =	sld [smem:$0x3FB6]  }
0x2d: {  	s3 =	simm.s32 $0x108;
	s8 =	sld [smem:$0x3FB7]  }
0x2e: {  	s3 =	simm.s32 @!p0 $0x1082;
	s9 =	sld [smem:$0x3FB8]  }
0x2f: {  	lr =	sadd.s32 s0, s3;
	s0 =	sld [smem:$0x3FAF]  }
0x30: {  	s3 =	sld [smem:$0x3FB2]  }
0x31: {  	[smem:$0x3FBB] =	sst s10  }
0x32: {  	s10 =	sld [smem:$0x3FB9];
	_ =	sdelay $0x3  }
0x33: {  	p0 =	seq.s32 s10, $0x1;
	s10 =	sld [smem:$0x3FBB];
	_ =	sdelay $0x3  }
0x34: {  	[smem:$0x3FBB] =	sst s10  }
0x35: {  	s10 =	sld [smem:$0x3FBA];
	_ =	sdelay $0x3  }
0x36: {  	p1 =	seq.s32 s10, $0x1;
	s10 =	sld [smem:$0x3FBB];
	_ =	sdelay $0x3  }
0x37: {  	[smem:$0x3FBB] =	sst s10  }
0x38: {  	s10 =	sld [smem:$0x3FBC]  }
0x39: {  	_ = 	snop;
	(pc) =	sbr.ind lr, $3  }
0x3a: {  	_ = 	snop  }
0x3b: {  	_ = 	snop  }
0x3c: {  	p2 =	seq.s32 s10, $0x1;
	s10 =	sld [smem:$0x3FBB]  }
0x3d: {  	_ =	shalt  }
0x3e: {  	_ =	shalt  }
0x3f: {  	_ =	shalt  }
0x40: {  	_ =	shalt  }
0x41: {  	_ =	shalt  }
0x42: {  	_ =	shalt  }
0x43: {  	_ =	shalt  }
0x44: {  	_ =	shalt  }
0x45: {  	_ =	shalt  }
0x46: {  	_ =	shalt  }
0x47: {  	_ =	shalt  }
0x48: {  	_ =	shalt  }
0x49: {  	_ =	shalt  }
0x4a: {  	_ =	shalt  }
0x4b: {  	_ =	shalt  }
0x4c: {  	_ =	shalt  }
0x4d: {  	_ =	shalt  }
0x4e: {  	_ =	shalt  }
0x4f: {  	_ =	shalt  }
0x50: {  	_ =	shalt  }
0x51: {  	_ =	shalt  }
0x52: {  	_ =	shalt  }
0x53: {  	_ =	shalt  }
0x54: {  	_ =	shalt  }
0x55: {  	_ =	shalt  }
0x56: {  	_ =	shalt  }
0x57: {  	_ =	shalt  }
0x58: {  	_ =	shalt  }
0x59: {  	_ =	shalt  }
0x5a: {  	_ =	shalt  }
0x5b: {  	_ =	shalt  }
0x5c: {  	_ =	shalt  }
0x5d: {  	_ =	shalt  }
0x5e: {  	_ =	shalt  }
0x5f: {  	_ =	shalt  }
0x60: {  	_ =	shalt  }
0x61: {  	_ =	shalt  }
0x62: {  	_ =	shalt  }
0x63: {  	_ =	shalt  }
0x64: {  	_ =	shalt  }
0x65: {  	_ =	shalt  }
0x66: {  	_ =	shalt  }
0x67: {  	_ =	shalt  }
0x68: {  	_ =	shalt  }
0x69: {  	_ =	shalt  }
0x6a: {  	_ =	shalt  }
0x6b: {  	_ =	shalt  }
0x6c: {  	_ =	shalt  }
0x6d: {  	_ =	shalt  }
0x6e: {  	_ =	shalt  }
0x6f: {  	_ =	shalt  }
0x70: {  	_ =	shalt  }
0x71: {  	_ =	shalt  }
0x72: {  	_ =	shalt  }
0x73: {  	_ =	shalt  }
0x74: {  	_ =	shalt  }
0x75: {  	_ =	shalt  }
0x76: {  	_ =	shalt  }
0x77: {  	_ =	shalt  }
0x78: {  	_ =	shalt  }
0x79: {  	_ =	shalt  }
0x7a: {  	_ =	shalt  }
0x7b: {  	_ =	shalt  }
0x7c: {  	_ =	shalt  }
0x7d: {  	_ =	shalt  }
0x7e: {  	_ =	shalt  }
0x7f: {  	_ =	shalt  }
0x80: {  	_ =	shalt  }
0x81: {  	_ =	shalt  }
0x82: {  	_ =	shalt  }
0x83: {  	_ =	shalt  }
0x84: {  	_ =	shalt  }
0x85: {  	_ =	shalt  }
0x86: {  	_ =	shalt  }
0x87: {  	_ =	shalt  }
.Lfunc_end0:
.L_simem_size_0:
called_computation_lowered:
.L_overlay_start_0:
0x88: {  	s2 =	sld [smem:$0x3FD9]  }
0x89: {  	s3 =	sld [smem:$0x3FFE];
	_ =	sdelay $0x1  }
0x8a: {  	s1 =	srdreg.scid  }
0x8b: {  	s0 =	sand.u32 $0x1, s1  }
0x8c: {  	s18 =	sshll.u32 s0, $0xA;
	s2 =	sadd.s32 s3, s2  }
0x8d: {  	s2 =	sadd.s32 s2, s18  }
0x8e: {  	[smem:$0x3FC7] =	sst s2  }
0x8f: {  	_ = 	snop  }
0x90: {  	s2 =	sld [smem:$0x3FC9]  }
0x91: {  	s19 =	sld [smem:$0x3FD0];
	(tm) =	ssettm $0x1  }
0x92: {  	s4 =	sld [smem:$0x3FFB];
	_ =	sdelay $0x3  }
0x93: {  	_ =	strace s4  }
0x94: {  	s4 =	sld [smem:$0x3FFC];
	_ =	sdelay $0x3  }
0x95: {  	_ =	strace s4  }
0x96: {  	s4 =	sld [smem:$0x3FFD];
	_ =	sdelay $0x3  }
0x97: {  	_ =	strace s4  }
0x98: {  	_ =	strace $0x8FFFFFFF  }
0x99: {  	s20 =	sld [smem:$0x3FDB];
	_ =	sdelay $0x1  }
0x9a: {  	s5 =	simm.s32 $_scs_section_size  }
0x9b: {  	s6 =	simm.s32 $_size__tile_overlayer_lowered;
	s7 =	simm.s32 $_tile_overlayer_lowered  }
0x9c: {  	s23 =	simm.s32 $0x1BFF;
	s22 =	sshll.u32 s7, $0x1;
	s4 =	sadd.s32 s5, s20  }
0x9d: {  	s8 =	simm.s32 $0x0;
	s21 =	sshll.u32 s6, $0x1;
	s6 =	sadd.s32 s22, s4  }
0x9e: {  	[timem:s8], [sflag:s23] =	dma.local [hbm:s6], s21  }
0x9f: {  	_ =	swait.ge [sflag:s23], s21  }
0xa0: {  	s5 =	ssub.s32 $0x0, s21;
	[sflag:s23] =	ssyncset.done $0x0  }
0xa1: {  	[sflag:s23] =	ssyncadd.s32 s5;
	_ =	sdelay $0x1  }
0xa2: {  	s24 =	simm.s32 $0x1B8B  }
0xa3: {  	_ =	swait.ge [sflag:s24], $0x1  }
0xa4: {  	[sflag:s24] =	ssyncset.done $0x0  }
0xa5: {  	s25 =	simm.s32 $0x1B8E;
	[sflag:s24] =	ssyncadd.s32 $0xFFFFFFFF  }
0xa6: {  	s26 =	simm.s32 $execute0_lowered;
	[smem:$0x3FD2] =	sst s25  }
0xa7: {  	s5 =	sshll.u32 s26, $0x1;
	_ =	strace $0x80000046;
	[dreg:$0x1] =	wrdreg $0xFFFFFFFF  }
0xa8: {  	s28 =	simm.s32 $_size_execute0_lowered;
	s4 =	sadd.s32 s4, s5;
	[dreg:$0x0] =	wrdreg $0x0  }
0xa9: {  	s5 =	sshll.u32 s28, $0x1;
	[dreg:$0x2] =	wrdreg s4  }
0xaa: {  	[dreg:$0x3] =	wrdreg s5  }
0xab: {  	[dreg:$0x4] =	wrdreg $0xC0  }
0xac: {  	_ =	task [dreg:s8], $0x5FFFF  }
0xad: {  	[dreg:$0x1] =	wrdreg $0xFFFFFFFF  }
0xae: {  	[dreg:$0x0] =	wrdreg $0x60  }
0xaf: {  	[dreg:$0x2] =	wrdreg s2  }
0xb0: {  	[dreg:$0x3] =	wrdreg s19  }
0xb1: {  	[dreg:$0x4] =	wrdreg $0x9  }
0xb2: {  	_ =	task.clear_ibuf [dreg:s8], $0x5FFFF;
	_ =	strace $0x90000046  }
0xb3: {  	s29 =	simm.s32 $0x9;
	_ =	strace $0x80000048  }
0xb4: {  	_ =	swait.ge [sflag:s29], $0x1  }
0xb5: {  	[sflag:s29] =	ssyncadd.s32 $0xFFFFFFFF  }
0xb6: {  	_ =	strace $0x90000048  }
0xb7: {  	_ =	sfence  }
0xb8: {  	s30 =	sld [smem:$0x0];
	_ =	sdelay $0x2  }
0xb9: {  	s31 =	sshll.u32 s1, $0xD;
	s1 =	sshrl.u32 s1, $0x2  }
0xba: {  	s3 =	sand.u32 $0x4000, s31;
	s1 =	sadd.s32 s1, s30  }
0xbb: {  	s0 =	sor.u32 s3, s0;
	s1 =	sshll.u32 s1, $0x11  }
0xbc: {  	s0 =	sor.u32 s1, s0  }
0xbd: {  	s0 =	sadd.s32 $0x8F2B, s0  }
0xbe: {  	[sflag:s0] =	ssyncadd.remote.s32 $0x1  }
0xbf: {  	_ =	sfence.sel $0xFFFF  }
0xc0: {  	[dreg:$0x0] =	wrdreg $0xFFFFFFFF;
	(pc) =	sbr.abs _section_cstart, $3  }
0xc1: {  	[dreg:$0x1] =	wrdreg $0xFFFFFFFF  }
0xc2: {  	_ =	task.clear_ibuf [dreg:s8], $0x2FFFF;
	_ =	strace $0x9FFFFFFF  }
0xc3: {  	(tm) =	ssettm $0x7FFFFFFF  }
tec
execute0_lowered:
.L_overlay_start_1:
0x0: {  	(tag) =	ssettag $0x1  }
0x1: {  	s4 =	rddreg [dreg:$0x0]  }
0x2: {  	s12 =	rddreg [dreg:$0x1];
	s2 =	srdreg.scid  }
0x3: {  	s0 =	rddreg [dreg:$0x2];
	s1 =	stileid.u32;
	s17 =	sand.u32 $0x1, s2  }
0x4: {  	s2 =	simm.s32 $0x0;
	s5 =	sshll.u32 s1, $0xD;
	s3 =	sshll.u32 s17, $0x11  }
0x5: {  	[smem:$0x7FF] =	sst s2;
	s10 =	sor.u32 s5, s3  }
0x6: {  	_ =	strace $0x80000047;
	s3 =	sadd.s32 s4, s10;
	s15 =	sor.u32 $0x1000, s10  }
0x7: {  	[tilespmem:s2], [sflag:$0x1] =	stream.linear.gather [hbm4b:s3+s2], $0x8000, $0x38;
	[tilespmem:$0x10000] =	vst v63  }
0x8: {  	s6 =	simm.s32 $0x1;
	s5 =	simm.s32 $0x8000;
	s4 =	sadd.s32 s4, s15  }
0x9: {  	[tilespmem:s5], [sflag:$0x2] =	stream.linear.gather [hbm4b:s4+s2], $0x8000, $0x38;
	[tilespmem:$0x10000] =	vst v63  }
0xa: {  	_ =	swait.ge [sflag:s6], $0x8000  }
0xb: {  	[sflag:s6] =	ssyncset.done $0x0  }
0xc: {  	s13 =	sadd.s32 $0x40000, s12;
	s7 =	sadd.s32 s12, s10;
	[sflag:s6] =	ssyncadd.s32 $0xFFFF8000  }
0xd: {  	[hbm4b:s7+s2] =	stream.linear.scatter [tilespmem:s2], [sflag:$0x3], $0x8000, $0x38;
	[tilespmem:$0x10000] =	vst v63  }
0xe: {  	s14 =	sadd.s32 $0x80000, s12;
	s8 =	sadd.s32 s10, s13  }
0xf: {  	[hbm4b:s8+s2] =	stream.linear.scatter [tilespmem:s2], [sflag:$0x3], $0x8000, $0x38;
	[tilespmem:$0x10000] =	vst v63  }
0x10: {  	s16 =	sadd.s32 $0xC0000, s12;
	s9 =	sadd.s32 s10, s14  }
0x11: {  	[hbm4b:s9+s2] =	stream.linear.scatter [tilespmem:s2], [sflag:$0x3], $0x8000, $0x38;
	[tilespmem:$0x10000] =	vst v63  }
0x12: {  	s11 =	simm.s32 $0x2;
	s10 =	sadd.s32 s10, s16  }
0x13: {  	[hbm4b:s10+s2] =	stream.linear.scatter [tilespmem:s2], [sflag:$0x3], $0x8000, $0x38;
	[tilespmem:$0x10000] =	vst v63  }
0x14: {  	_ =	swait.ge [sflag:s11], $0x8000  }
0x15: {  	[sflag:s11] =	ssyncset.done $0x0  }
0x16: {  	s12 =	sadd.s32 s12, s15;
	[sflag:s11] =	ssyncadd.s32 $0xFFFF8000  }
0x17: {  	[hbm4b:s12+s2] =	stream.linear.scatter [tilespmem:s5], [sflag:$0x3], $0x8000, $0x38;
	[tilespmem:$0x10000] =	vst v63  }
0x18: {  	s13 =	sadd.s32 s15, s13  }
0x19: {  	[hbm4b:s13+s2] =	stream.linear.scatter [tilespmem:s5], [sflag:$0x3], $0x8000, $0x38;
	[tilespmem:$0x10000] =	vst v63  }
0x1a: {  	s14 =	sadd.s32 s15, s14  }
0x1b: {  	[hbm4b:s14+s2] =	stream.linear.scatter [tilespmem:s5], [sflag:$0x3], $0x8000, $0x38;
	[tilespmem:$0x10000] =	vst v63  }
0x1c: {  	s16 =	sadd.s32 s15, s16;
	s15 =	simm.s32 $0x3  }
0x1d: {  	[hbm4b:s16+s2] =	stream.linear.scatter [tilespmem:s5], [sflag:$0x3], $0x8000, $0x38;
	[tilespmem:$0x10000] =	vst v63  }
0x1e: {  	_ =	swait.ge [sflag:s15], $0x8000  }
0x1f: {  	[sflag:s15] =	ssyncset.done $0x0  }
0x20: {  	[sflag:s15] =	ssyncadd.s32 $0xFFFF8000  }
0x21: {  	_ =	swait.ge [sflag:s15], $0x8000  }
0x22: {  	[sflag:s15] =	ssyncset.done $0x0  }
0x23: {  	[sflag:s15] =	ssyncadd.s32 $0xFFFF8000  }
0x24: {  	_ =	swait.ge [sflag:s15], $0x8000  }
0x25: {  	[sflag:s15] =	ssyncset.done $0x0  }
0x26: {  	[sflag:s15] =	ssyncadd.s32 $0xFFFF8000  }
0x27: {  	_ =	swait.ge [sflag:s15], $0x8000  }
0x28: {  	[sflag:s15] =	ssyncset.done $0x0  }
0x29: {  	[sflag:s15] =	ssyncadd.s32 $0xFFFF8000  }
0x2a: {  	_ =	swait.ge [sflag:s15], $0x8000  }
0x2b: {  	s17 =	ssub.s32 $0x2, s17;
	[sflag:s15] =	ssyncset.done $0x0  }
0x2c: {  	s18 =	sshrl.u32 s17, $0x1;
	[sflag:s15] =	ssyncadd.s32 $0xFFFF8000  }
0x2d: {  	s17 =	ssub.s32 s17, s18;
	_ =	swait.ge [sflag:s15], $0x8000  }
0x2e: {  	s17 =	smax.u32 s17, $0x1;
	[sflag:s15] =	ssyncset.done $0x0  }
0x2f: {  	p0 =	sne.s32 s17, $0x1;
	[sflag:s15] =	ssyncadd.s32 $0xFFFF8000  }
.Ltmp0:
0x30: {  	_ =	swait.ge [sflag:s15], $0x8000;
	(pc) =	sbr.rel @!p0 .LBB2_2-.Ltmp0, $4  }
0x31: {  	[sflag:s15] =	ssyncset.done $0x0  }
0x32: {  	[sflag:s15] =	ssyncadd.s32 $0xFFFF8000  }
0x33: {  	_ =	swait.ge [sflag:s15], $0x8000  }
0x34: {  	s17 =	sadd.s32 $0xFFFFFFFF, s17;
	[sflag:s15] =	ssyncset.done $0x0  }
.LBB2_1:
0x35: {  	p0 =	sne.s32 s17, $0x1;
	s17 =	sadd.s32 $0xFFFFFFFF, s17;
	[sflag:s15] =	ssyncadd.s32 $0xFFFF8000  }
0x36: {  	[tilespmem:s2], [sflag:$0x1] =	stream.linear.gather [hbm4b:s3+s2], $0x8000, $0x38;
	[tilespmem:$0x10000] =	vst v63  }
0x37: {  	_ = 	snop  }
0x38: {  	[tilespmem:s5], [sflag:$0x2] =	stream.linear.gather [hbm4b:s4+s2], $0x8000, $0x38;
	[tilespmem:$0x10000] =	vst v63  }
0x39: {  	_ =	swait.ge [sflag:s6], $0x8000  }
0x3a: {  	[sflag:s6] =	ssyncset.done $0x0  }
0x3b: {  	[sflag:s6] =	ssyncadd.s32 $0xFFFF8000  }
0x3c: {  	[hbm4b:s7+s2] =	stream.linear.scatter [tilespmem:s2], [sflag:$0x3], $0x8000, $0x38;
	[tilespmem:$0x10000] =	vst v63  }
0x3d: {  	_ = 	snop  }
0x3e: {  	[hbm4b:s8+s2] =	stream.linear.scatter [tilespmem:s2], [sflag:$0x3], $0x8000, $0x38;
	[tilespmem:$0x10000] =	vst v63  }
0x3f: {  	_ = 	snop  }
0x40: {  	[hbm4b:s9+s2] =	stream.linear.scatter [tilespmem:s2], [sflag:$0x3], $0x8000, $0x38;
	[tilespmem:$0x10000] =	vst v63  }
0x41: {  	_ = 	snop  }
0x42: {  	[hbm4b:s10+s2] =	stream.linear.scatter [tilespmem:s2], [sflag:$0x3], $0x8000, $0x38;
	[tilespmem:$0x10000] =	vst v63  }
0x43: {  	_ =	swait.ge [sflag:s11], $0x8000  }
0x44: {  	[sflag:s11] =	ssyncset.done $0x0  }
0x45: {  	[sflag:s11] =	ssyncadd.s32 $0xFFFF8000  }
0x46: {  	[hbm4b:s12+s2] =	stream.linear.scatter [tilespmem:s5], [sflag:$0x3], $0x8000, $0x38;
	[tilespmem:$0x10000] =	vst v63  }
0x47: {  	_ = 	snop  }
0x48: {  	[hbm4b:s13+s2] =	stream.linear.scatter [tilespmem:s5], [sflag:$0x3], $0x8000, $0x38;
	[tilespmem:$0x10000] =	vst v63  }
0x49: {  	_ = 	snop  }
0x4a: {  	[hbm4b:s14+s2] =	stream.linear.scatter [tilespmem:s5], [sflag:$0x3], $0x8000, $0x38;
	[tilespmem:$0x10000] =	vst v63  }
0x4b: {  	_ = 	snop  }
0x4c: {  	[hbm4b:s16+s2] =	stream.linear.scatter [tilespmem:s5], [sflag:$0x3], $0x8000, $0x38;
	[tilespmem:$0x10000] =	vst v63  }
0x4d: {  	_ =	swait.ge [sflag:s15], $0x8000  }
0x4e: {  	[sflag:s15] =	ssyncset.done $0x0  }
0x4f: {  	[sflag:s15] =	ssyncadd.s32 $0xFFFF8000  }
0x50: {  	_ =	swait.ge [sflag:s15], $0x8000  }
0x51: {  	[sflag:s15] =	ssyncset.done $0x0  }
0x52: {  	[sflag:s15] =	ssyncadd.s32 $0xFFFF8000  }
0x53: {  	_ =	swait.ge [sflag:s15], $0x8000  }
0x54: {  	[sflag:s15] =	ssyncset.done $0x0  }
0x55: {  	[sflag:s15] =	ssyncadd.s32 $0xFFFF8000  }
0x56: {  	_ =	swait.ge [sflag:s15], $0x8000  }
0x57: {  	[sflag:s15] =	ssyncset.done $0x0  }
0x58: {  	[sflag:s15] =	ssyncadd.s32 $0xFFFF8000  }
0x59: {  	_ =	swait.ge [sflag:s15], $0x8000  }
0x5a: {  	[sflag:s15] =	ssyncset.done $0x0  }
0x5b: {  	[sflag:s15] =	ssyncadd.s32 $0xFFFF8000  }
0x5c: {  	_ =	swait.ge [sflag:s15], $0x8000  }
0x5d: {  	[sflag:s15] =	ssyncset.done $0x0  }
0x5e: {  	[sflag:s15] =	ssyncadd.s32 $0xFFFF8000  }
.Ltmp1:
0x5f: {  	_ =	swait.ge [sflag:s15], $0x8000;
	(pc) =	sbr.rel @p0 .LBB2_1-.Ltmp1, $4  }
0x60: {  	[sflag:s15] =	ssyncset.done $0x0  }
0x61: {  	[sflag:s15] =	ssyncadd.s32 $0xFFFF8000  }
0x62: {  	_ =	swait.ge [sflag:s15], $0x8000  }
0x63: {  	[sflag:s15] =	ssyncset.done $0x0  }
.LBB2_2:
0x64: {  	[sflag:s15] =	ssyncadd.s32 $0xFFFF8000  }
0x65: {  	_ =	sfence.sel $0x180000  }
0x66: {  	[bflag:$0x0] =	sbarrier.arrive $0xFFFF  }
0x67: {  	p0 =	sne.s32 s1, $0x0;
	_ =	strace $0x90000047  }
0x68: {  	s0 =	sadd.s32 @!p0 $0x100000, s0;
	[bflag:$0x2] =	sbarrier.arrive $0xFFFF  }
0x69: {  	[sflag:s0] =	ssyncadd.tile.s32 @!p0 $0x1;
	_ =	shalt  }
.Lfunc_end2:
_tile_overlayer_lowered:
.L_overlay_start_2:
0x6a: {  	(tag) =	ssettag $0x2  }
0x6b: {  	s0 =	rddreg [dreg:$0x0];
	s2 =	stileid.u32  }
0x6c: {  	s1 =	rddreg [dreg:$0x1];
	p0 =	sne.s32 s2, $0x0  }
0x6d: {  	s3 =	rddreg [dreg:$0x2];
	[bflag:$0x3] =	sbarrier.arrive $0xFFFF;
	s2 =	simm.s32 @!p0 $0x1C04  }
0x6e: {  	[timem:s3], [sflag:s2] =	dma.local @!p0 [hbm:s0], s1  }
0x6f: {  	s0 =	simm.s32 @!p0 $0x4  }
0x70: {  	_ =	swait.ge @!p0 [sflag:s0], s1  }
0x71: {  	s1 =	ssub.s32 @!p0 $0x0, s1;
	[sflag:s0] =	ssyncset.done @!p0 $0x0  }
0x72: {  	[sflag:s0] =	ssyncadd.s32 @!p0 s1  }
0x73: {  	[bflag:$0x3] =	sbarrier.arrive $0xFFFF  }
0x74: {  	_ =	shalt  }

</sc_bundles>
